<compile_context>
chip_gen: v7x
topology: tpu7x:2x2x1
jax: 0.10.2.dev20260603
libtpu: 0.0.44.dev20260713+nightly
codegen_flags: <defaults>
</compile_context>

<pallas_src>
import functools

import jax
import jax.numpy as jnp
from jax import lax
from jax.experimental import pallas as pl
from jax.experimental.pallas import tpu as pltpu
from jax.experimental.pallas import tpu_sc as plsc

_IGNORE_INDEX = 255
_NC = 2
_NS = 16
_NW = _NC * _NS
_L = 16
_CHUNK = 2048


@functools.lru_cache(maxsize=None)
def _make_sc_kernel(B, K, P):
    per_tile = P // _NW
    n_chunks = per_tile // _CHUNK
    n_steps = B * n_chunks
    assert per_tile % _CHUNK == 0 and n_steps % 2 == 0
    groups = _CHUNK // _L

    mesh = plsc.VectorSubcoreMesh(core_axis_name="c", subcore_axis_name="s")

    @functools.partial(
        pl.kernel,
        out_type=jax.ShapeDtypeStruct((_NW * _L,), jnp.float32),
        mesh=mesh,
        compiler_params=pltpu.CompilerParams(
            use_tc_tiling_on_sc=False, needs_layout_passes=False),
        scratch_types=[
            pltpu.VMEM((K, _CHUNK), jnp.float32),
            pltpu.VMEM((K, _CHUNK), jnp.float32),
            pltpu.VMEM((_CHUNK,), jnp.int32),
            pltpu.VMEM((_CHUNK,), jnp.int32),
            pltpu.VMEM((_L,), jnp.float32),
            pltpu.SemaphoreType.DMA,
            pltpu.SemaphoreType.DMA,
        ],
    )
    def grab_and_sum(x_hbm, t_hbm, out_hbm, xbuf0, xbuf1, tbuf0, tbuf1,
                     acc, sem0, sem1):
        cid = lax.axis_index("c")
        sid = lax.axis_index("s")
        wid = sid * _NC + cid
        base = wid * per_tile
        xbufs = (xbuf0, xbuf1)
        tbufs = (tbuf0, tbuf1)
        sems = (sem0, sem1)

        def copies(step, slot):
            b = step // n_chunks
            off = base + (step % n_chunks) * _CHUNK
            return (
                pltpu.make_async_copy(
                    x_hbm.at[b, :, pl.ds(off, _CHUNK)], xbufs[slot],
                    sems[slot],
                ),
                pltpu.make_async_copy(
                    t_hbm.at[b, pl.ds(off, _CHUNK)], tbufs[slot],
                    sems[slot],
                ),
            )

        def start(step, slot):
            for c in copies(step, slot):
                c.start()

        def wait(step, slot):
            for c in copies(step, slot):
                c.wait()

        def consume(slot):
            @pl.loop(0, groups)
            def _(j):
                t16 = tbufs[slot][pl.ds(j * _L, _L)]
                col = lax.iota(jnp.int32, _L) + j * _L
                row = jnp.minimum(t16, K - 1)
                vals = plsc.load_gather(xbufs[slot], [row, col])
                vals = jnp.where(t16 != _IGNORE_INDEX, vals, 0.0)
                acc[...] = acc[...] + vals

        acc[...] = jnp.zeros((_L,), jnp.float32)
        start(0, 0)

        @pl.loop(0, n_steps, step=2)
        def _(i):
            start(i + 1, 1)
            wait(i, 0)
            consume(0)

            @pl.when(i + 2 < n_steps)
            def _():
                start(i + 2, 0)

            wait(i + 1, 1)
            consume(1)

        pltpu.sync_copy(acc, out_hbm.at[pl.ds(wid * _L, _L)])

    return grab_and_sum


def kernel(input, target):
    B, K, N, H, W = input.shape
    P = N * H * W
    x = input.reshape(B, K, P)
    t = target.reshape(B, P).astype(jnp.int32)
    partials = _make_sc_kernel(B, K, P)(x, t)
    return -jnp.sum(partials) / (B * P)

# --- scband reference (transcript-rebuilt; emitter-appended) ---
"""Pipeline reference for scband-focal-loss-30288109371870 (READ-ONLY COPY).

The authoritative reference and input builder live on the scoring server;
editing this copy changes nothing except your own understanding.
"""

import jax, jax.numpy as jnp
import numpy as np

TOP_K = 0.7
IGNORE_INDEX = 255


def setup_inputs(seed: int = 0) -> dict:
    key = jax.random.key(seed)
    k1, k2 = jax.random.split(key)
    input = jax.random.normal(k1, (8, 19, 1, 512, 512), dtype=jnp.float32)
    target = jax.random.randint(k2, (8, 1, 512, 512), 0, 19, dtype=jnp.int64)
    return {"input": input, "target": target}


def reference(input, target):
    step_percent = 0
    B, K, N, H, W = input.shape
    step_percent = min(step_percent, 1.0)
    x = input.reshape(B * N, K, H * W)
    t = target.reshape(B * N, H * W)
    # F.nll_loss(..., ignore_index, reduction='none'): loss = -x[i, t[i,p], p], 0 where ignored
    valid = t != IGNORE_INDEX
    safe_t = jnp.where(valid, t, 0)
    gathered = jnp.take_along_axis(x, safe_t[:, None, :], axis=1)[:, 0, :]
    nll_loss = jnp.where(valid, -gathered, 0.0)
    n_pixels = H * W
    n_top_k_pixels = TOP_K * n_pixels
    n_top_k_pixels = int(step_percent * n_top_k_pixels + (1 - step_percent) * n_pixels)
    top_k_loss, _ = jax.lax.top_k(nll_loss, n_top_k_pixels)
    return jnp.mean(top_k_loss)

if __name__ == "__main__":
    import jax
    _d = setup_inputs()
    print(jax.jit(kernel)(*tuple(_d.values())))

</pallas_src>

<mosaic_0001>
#map = affine_map<(d0, d1) -> (0, 0, 0)>
#map1 = affine_map<(d0, d1) -> (0, 0)>
#map2 = affine_map<(d0, d1) -> (0)>
module attributes {stable_mosaic.version = 14 : i64} {
  func.func @grab_and_sum(%arg0: i32, %arg1: i32, %arg2: memref<8x19x262144xf32, #tpu.memory_space<hbm>>, %arg3: memref<8x262144xi32, #tpu.memory_space<hbm>>, %arg4: memref<512xf32, #tpu.memory_space<hbm>>, %arg5: memref<19x2048xf32, #tpu.memory_space<vmem>>, %arg6: memref<19x2048xf32, #tpu.memory_space<vmem>>, %arg7: memref<2048xi32, #tpu.memory_space<vmem>>, %arg8: memref<2048xi32, #tpu.memory_space<vmem>>, %arg9: memref<16xf32, #tpu.memory_space<vmem>>, %arg10: memref<!tpu.dma_semaphore, #tpu.memory_space<semaphore_mem>>, %arg11: memref<!tpu.dma_semaphore, #tpu.memory_space<semaphore_mem>>) attributes {dimension_semantics = [#tpu.dimension_semantics<core_parallel>, #tpu.dimension_semantics<subcore_parallel>], iteration_bounds = array<i64: 2, 16>, scalar_prefetch = 0 : i64, scratch_operands = 7 : i64, tpu.core_type = #tpu.core_type<sc_vector_subcore>, window_params = [{transform_indices = #map}, {transform_indices = #map1}, {transform_indices = #map2}]} {
    %mul3A = arith.constant 2 : i32
    %mul3A_0 = arith.muli %arg1, %mul3A : i32
    %add3A = arith.addi %mul3A_0, %arg0 : i32
    %mul3A_1 = arith.constant 8192 : i32
    %mul3A_2 = arith.muli %add3A, %mul3A_1 : i32
    %broadcast_in_dim3A = arith.constant 0.000000e+00 : f32
    %broadcast_in_dim3A_3 = vector.broadcast %broadcast_in_dim3A : f32 to vector<16xf32>
    %swap3A = arith.constant 0 : index
    %swap3A_4 = tpu.vector_load %arg9[%swap3A] {strides = array<i32>} : memref<16xf32, #tpu.memory_space<vmem>>, vector<16xf32>,
    tpu.vector_store %arg9[%swap3A], %broadcast_in_dim3A_3 {strides = array<i32>} : memref<16xf32, #tpu.memory_space<vmem>>, vector<16xf32>,
    %add3A_5 = arith.constant 0 : i32
    %add3A_6 = arith.addi %mul3A_2, %add3A_5 : i32
    %dma_start3A = arith.constant 0 : i32
    %dma_start3A_7 = arith.constant 0 : i32
    %dma_start3A_8 = tpu.memref_slice %arg2[%dma_start3A, %dma_start3A_7, %add3A_6] : memref<8x19x262144xf32, #tpu.memory_space<hbm>> -> memref<1x19x2048xf32, #tpu.memory_space<hbm>>
    %dma_start3A_9 = tpu.memref_squeeze %dma_start3A_8 : memref<1x19x2048xf32, #tpu.memory_space<hbm>> -> memref<19x2048xf32, #tpu.memory_space<hbm>>
    %dma_start3A_10 = arith.constant 0 : i32
    %dma_start3A_11 = tpu.memref_slice %arg2[%dma_start3A, %dma_start3A_10, %add3A_6] : memref<8x19x262144xf32, #tpu.memory_space<hbm>> -> memref<1x19x2048xf32, #tpu.memory_space<hbm>>
    %dma_start3A_12 = tpu.memref_squeeze %dma_start3A_11 : memref<1x19x2048xf32, #tpu.memory_space<hbm>> -> memref<19x2048xf32, #tpu.memory_space<hbm>>
    tpu.enqueue_dma source(%dma_start3A_12 : memref<19x2048xf32, #tpu.memory_space<hbm>>) target(%arg5 : memref<19x2048xf32, #tpu.memory_space<vmem>>) target_semaphore(%arg10 : memref<!tpu.dma_semaphore, #tpu.memory_space<semaphore_mem>>)
    %dma_start3A_13 = arith.constant 0 : i32
    %dma_start3A_14 = tpu.memref_slice %arg3[%dma_start3A_13, %add3A_6] : memref<8x262144xi32, #tpu.memory_space<hbm>> -> memref<1x2048xi32, #tpu.memory_space<hbm>>
    %dma_start3A_15 = tpu.memref_squeeze %dma_start3A_14 : memref<1x2048xi32, #tpu.memory_space<hbm>> -> memref<2048xi32, #tpu.memory_space<hbm>>
    %dma_start3A_16 = tpu.memref_slice %arg3[%dma_start3A_13, %add3A_6] : memref<8x262144xi32, #tpu.memory_space<hbm>> -> memref<1x2048xi32, #tpu.memory_space<hbm>>
    %dma_start3A_17 = tpu.memref_squeeze %dma_start3A_16 : memref<1x2048xi32, #tpu.memory_space<hbm>> -> memref<2048xi32, #tpu.memory_space<hbm>>
    tpu.enqueue_dma source(%dma_start3A_17 : memref<2048xi32, #tpu.memory_space<hbm>>) target(%arg7 : memref<2048xi32, #tpu.memory_space<vmem>>) target_semaphore(%arg10 : memref<!tpu.dma_semaphore, #tpu.memory_space<semaphore_mem>>)
    %scan3A = arith.constant 0 : i32
    %scan3A_18 = arith.constant 16 : i32
    %scan3A_19 = arith.addi %scan3A, %scan3A_18 : i32
    %scan3A_20 = arith.constant 1 : i32
    scf.for %scan3A_24 = %scan3A to %scan3A_19 step %scan3A_20  : i32 {
      %mul3A_25 = arith.constant 2 : i32
      %mul3A_26 = arith.muli %scan3A_24, %mul3A_25 : i32
      %add3A_27 = arith.constant 0 : i32
      %add3A_28 = arith.addi %add3A_27, %mul3A_26 : i32
      %add3A_29 = arith.constant 1 : i32
      %add3A_30 = arith.addi %add3A_28, %add3A_29 : i32
      %jit3A = arith.constant 4 : i32
      %div3A = arith.divsi %add3A_30, %jit3A : i32
      %sign3A = arith.constant 0 : i32
      %sign3A_31 = arith.cmpi sgt, %add3A_30, %sign3A : i32
      %sign3A_32 = arith.extui %sign3A_31 : i1 to i32
      %sign3A_33 = arith.constant 0 : i32
      %sign3A_34 = arith.cmpi slt, %add3A_30, %sign3A_33 : i32
      %sign3A_35 = arith.extui %sign3A_34 : i1 to i32
      %sign3A_36 = arith.subi %sign3A_32, %sign3A_35 : i32
      %sign3A_37 = arith.constant 0 : i32
      %sign3A_38 = arith.cmpi sgt, %jit3A, %sign3A_37 : i32
      %sign3A_39 = arith.extui %sign3A_38 : i1 to i32
      %sign3A_40 = arith.constant 0 : i32
      %sign3A_41 = arith.cmpi slt, %jit3A, %sign3A_40 : i32
      %sign3A_42 = arith.extui %sign3A_41 : i1 to i32
      %sign3A_43 = arith.subi %sign3A_39, %sign3A_42 : i32
      %ne3A = arith.cmpi ne, %sign3A_36, %sign3A_43 : i32
      %rem3A = arith.remsi %add3A_30, %jit3A : i32
      %ne3A_44 = arith.constant 0 : i32
      %ne3A_45 = arith.cmpi ne, %rem3A, %ne3A_44 : i32
      %and3A = arith.andi %ne3A, %ne3A_45 : i1
      %sub3A = arith.constant 1 : i32
      %sub3A_46 = arith.subi %div3A, %sub3A : i32
      %select_n3A = arith.select %and3A, %sub3A_46, %div3A : i32
      %jit3A_47 = arith.constant 4 : i32
      %eq3A = arith.constant 0 : i32
      %eq3A_48 = arith.cmpi eq, %jit3A_47, %eq3A : i32
      %jit3A_49 = arith.constant 1 : i32
      %select_n3A_50 = arith.select %eq3A_48, %jit3A_49, %jit3A_47 : i32
      %rem3A_51 = arith.remsi %add3A_30, %select_n3A_50 : i32
      %ne3A_52 = arith.constant 0 : i32
      %ne3A_53 = arith.cmpi ne, %rem3A_51, %ne3A_52 : i32
      %lt3A = arith.constant 0 : i32
      %lt3A_54 = arith.cmpi slt, %rem3A_51, %lt3A : i32
      %lt3A_55 = arith.constant 0 : i32
      %lt3A_56 = arith.cmpi slt, %select_n3A_50, %lt3A_55 : i32
      %ne3A_57 = arith.xori %lt3A_54, %lt3A_56 : i1
      %and3A_58 = arith.andi %ne3A_57, %ne3A_53 : i1
      %add3A_59 = arith.addi %rem3A_51, %select_n3A_50 : i32
      %select_n3A_60 = arith.select %and3A_58, %add3A_59, %rem3A_51 : i32
      %mul3A_61 = arith.constant 2048 : i32
      %mul3A_62 = arith.muli %select_n3A_60, %mul3A_61 : i32
      %add3A_63 = arith.addi %mul3A_2, %mul3A_62 : i32
      %dma_start3A_64 = arith.constant 0 : i32
      %dma_start3A_65 = tpu.memref_slice %arg2[%select_n3A, %dma_start3A_64, %add3A_63] : memref<8x19x262144xf32, #tpu.memory_space<hbm>> -> memref<1x19x2048xf32, #tpu.memory_space<hbm>>
      %dma_start3A_66 = tpu.memref_squeeze %dma_start3A_65 : memref<1x19x2048xf32, #tpu.memory_space<hbm>> -> memref<19x2048xf32, #tpu.memory_space<hbm>>
      %dma_start3A_67 = arith.constant 0 : i32
      %dma_start3A_68 = tpu.memref_slice %arg2[%select_n3A, %dma_start3A_67, %add3A_63] : memref<8x19x262144xf32, #tpu.memory_space<hbm>> -> memref<1x19x2048xf32, #tpu.memory_space<hbm>>
      %dma_start3A_69 = tpu.memref_squeeze %dma_start3A_68 : memref<1x19x2048xf32, #tpu.memory_space<hbm>> -> memref<19x2048xf32, #tpu.memory_space<hbm>>
      tpu.enqueue_dma source(%dma_start3A_69 : memref<19x2048xf32, #tpu.memory_space<hbm>>) target(%arg6 : memref<19x2048xf32, #tpu.memory_space<vmem>>) target_semaphore(%arg11 : memref<!tpu.dma_semaphore, #tpu.memory_space<semaphore_mem>>)
      %dma_start3A_70 = tpu.memref_slice %arg3[%select_n3A, %add3A_63] : memref<8x262144xi32, #tpu.memory_space<hbm>> -> memref<1x2048xi32, #tpu.memory_space<hbm>>
      %dma_start3A_71 = tpu.memref_squeeze %dma_start3A_70 : memref<1x2048xi32, #tpu.memory_space<hbm>> -> memref<2048xi32, #tpu.memory_space<hbm>>
      %dma_start3A_72 = tpu.memref_slice %arg3[%select_n3A, %add3A_63] : memref<8x262144xi32, #tpu.memory_space<hbm>> -> memref<1x2048xi32, #tpu.memory_space<hbm>>
      %dma_start3A_73 = tpu.memref_squeeze %dma_start3A_72 : memref<1x2048xi32, #tpu.memory_space<hbm>> -> memref<2048xi32, #tpu.memory_space<hbm>>
      tpu.enqueue_dma source(%dma_start3A_73 : memref<2048xi32, #tpu.memory_space<hbm>>) target(%arg8 : memref<2048xi32, #tpu.memory_space<vmem>>) target_semaphore(%arg11 : memref<!tpu.dma_semaphore, #tpu.memory_space<semaphore_mem>>)
      %jit3A_74 = arith.constant 4 : i32
      %div3A_75 = arith.divsi %add3A_28, %jit3A_74 : i32
      %sign3A_76 = arith.constant 0 : i32
      %sign3A_77 = arith.cmpi sgt, %add3A_28, %sign3A_76 : i32
      %sign3A_78 = arith.extui %sign3A_77 : i1 to i32
      %sign3A_79 = arith.constant 0 : i32
      %sign3A_80 = arith.cmpi slt, %add3A_28, %sign3A_79 : i32
      %sign3A_81 = arith.extui %sign3A_80 : i1 to i32
      %sign3A_82 = arith.subi %sign3A_78, %sign3A_81 : i32
      %sign3A_83 = arith.constant 0 : i32
      %sign3A_84 = arith.cmpi sgt, %jit3A_74, %sign3A_83 : i32
      %sign3A_85 = arith.extui %sign3A_84 : i1 to i32
      %sign3A_86 = arith.constant 0 : i32
      %sign3A_87 = arith.cmpi slt, %jit3A_74, %sign3A_86 : i32
      %sign3A_88 = arith.extui %sign3A_87 : i1 to i32
      %sign3A_89 = arith.subi %sign3A_85, %sign3A_88 : i32
      %ne3A_90 = arith.cmpi ne, %sign3A_82, %sign3A_89 : i32
      %rem3A_91 = arith.remsi %add3A_28, %jit3A_74 : i32
      %ne3A_92 = arith.constant 0 : i32
      %ne3A_93 = arith.cmpi ne, %rem3A_91, %ne3A_92 : i32
      %and3A_94 = arith.andi %ne3A_90, %ne3A_93 : i1
      %sub3A_95 = arith.constant 1 : i32
      %sub3A_96 = arith.subi %div3A_75, %sub3A_95 : i32
      %select_n3A_97 = arith.select %and3A_94, %sub3A_96, %div3A_75 : i32
      %jit3A_98 = arith.constant 4 : i32
      %eq3A_99 = arith.constant 0 : i32
      %eq3A_100 = arith.cmpi eq, %jit3A_98, %eq3A_99 : i32
      %jit3A_101 = arith.constant 1 : i32
      %select_n3A_102 = arith.select %eq3A_100, %jit3A_101, %jit3A_98 : i32
      %rem3A_103 = arith.remsi %add3A_28, %select_n3A_102 : i32
      %ne3A_104 = arith.constant 0 : i32
      %ne3A_105 = arith.cmpi ne, %rem3A_103, %ne3A_104 : i32
      %lt3A_106 = arith.constant 0 : i32
      %lt3A_107 = arith.cmpi slt, %rem3A_103, %lt3A_106 : i32
      %lt3A_108 = arith.constant 0 : i32
      %lt3A_109 = arith.cmpi slt, %select_n3A_102, %lt3A_108 : i32
      %ne3A_110 = arith.xori %lt3A_107, %lt3A_109 : i1
      %and3A_111 = arith.andi %ne3A_110, %ne3A_105 : i1
      %add3A_112 = arith.addi %rem3A_103, %select_n3A_102 : i32
      %select_n3A_113 = arith.select %and3A_111, %add3A_112, %rem3A_103 : i32
      %mul3A_114 = arith.constant 2048 : i32
      %mul3A_115 = arith.muli %select_n3A_113, %mul3A_114 : i32
      %add3A_116 = arith.addi %mul3A_2, %mul3A_115 : i32
      %dma_wait3A = arith.constant 0 : i32
      %dma_wait3A_117 = tpu.memref_slice %arg2[%select_n3A_97, %dma_wait3A, %add3A_116] : memref<8x19x262144xf32, #tpu.memory_space<hbm>> -> memref<1x19x2048xf32, #tpu.memory_space<hbm>>
      %dma_wait3A_118 = tpu.memref_squeeze %dma_wait3A_117 : memref<1x19x2048xf32, #tpu.memory_space<hbm>> -> memref<19x2048xf32, #tpu.memory_space<hbm>>
      %dma_wait3A_119 = arith.constant 0 : i32
      %dma_wait3A_120 = tpu.memref_slice %arg2[%select_n3A_97, %dma_wait3A_119, %add3A_116] : memref<8x19x262144xf32, #tpu.memory_space<hbm>> -> memref<1x19x2048xf32, #tpu.memory_space<hbm>>
      %dma_wait3A_121 = tpu.memref_squeeze %dma_wait3A_120 : memref<1x19x2048xf32, #tpu.memory_space<hbm>> -> memref<19x2048xf32, #tpu.memory_space<hbm>>
      tpu.wait_dma2 semaphore(%arg10 : memref<!tpu.dma_semaphore, #tpu.memory_space<semaphore_mem>>) src(%dma_wait3A_121 : memref<19x2048xf32, #tpu.memory_space<hbm>>) dst(%arg5 : memref<19x2048xf32, #tpu.memory_space<vmem>>)
      %dma_wait3A_122 = tpu.memref_slice %arg3[%select_n3A_97, %add3A_116] : memref<8x262144xi32, #tpu.memory_space<hbm>> -> memref<1x2048xi32, #tpu.memory_space<hbm>>
      %dma_wait3A_123 = tpu.memref_squeeze %dma_wait3A_122 : memref<1x2048xi32, #tpu.memory_space<hbm>> -> memref<2048xi32, #tpu.memory_space<hbm>>
      %dma_wait3A_124 = tpu.memref_slice %arg3[%select_n3A_97, %add3A_116] : memref<8x262144xi32, #tpu.memory_space<hbm>> -> memref<1x2048xi32, #tpu.memory_space<hbm>>
      %dma_wait3A_125 = tpu.memref_squeeze %dma_wait3A_124 : memref<1x2048xi32, #tpu.memory_space<hbm>> -> memref<2048xi32, #tpu.memory_space<hbm>>
      tpu.wait_dma2 semaphore(%arg10 : memref<!tpu.dma_semaphore, #tpu.memory_space<semaphore_mem>>) src(%dma_wait3A_125 : memref<2048xi32, #tpu.memory_space<hbm>>) dst(%arg7 : memref<2048xi32, #tpu.memory_space<vmem>>)
      %scan3A_126 = arith.constant 0 : i32
      %scan3A_127 = arith.constant 128 : i32
      %scan3A_128 = arith.addi %scan3A_126, %scan3A_127 : i32
      %scan3A_129 = arith.constant 1 : i32
      scf.for %scan3A_196 = %scan3A_126 to %scan3A_128 step %scan3A_129  : i32 {
        %mul3A_197 = arith.constant 1 : i32
        %mul3A_198 = arith.muli %scan3A_196, %mul3A_197 : i32
        %add3A_199 = arith.constant 0 : i32
        %add3A_200 = arith.addi %add3A_199, %mul3A_198 : i32
        %mul3A_201 = arith.constant 16 : i32
        %mul3A_202 = arith.muli %add3A_200, %mul3A_201 : i32
        %get3A = arith.index_cast %mul3A_202 : i32 to index
        %get3A_203 = tpu.vector_load %arg7[%get3A] {strides = array<i32>} : memref<2048xi32, #tpu.memory_space<vmem>>, vector<16xi32>,
        %iota3A = tpu.iota {dimensions = array<i32: 0>} : vector<16xi32>
        %mul3A_204 = arith.constant 16 : i32
        %mul3A_205 = arith.muli %add3A_200, %mul3A_204 : i32
        %add3A_206 = vector.broadcast %mul3A_205 : i32 to vector<16xi32>
        %add3A_207 = arith.addi %iota3A, %add3A_206 : vector<16xi32>
        %min3A = arith.constant 18 : i32
        %min3A_208 = vector.broadcast %min3A : i32 to vector<16xi32>
        %min3A_209 = arith.minsi %get3A_203, %min3A_208 : vector<16xi32>
        %gather3A = tpu.vector_load_idx %arg5[%min3A_209, %add3A_207] : memref<19x2048xf32, #tpu.memory_space<vmem>>[vector<16xi32>, vector<16xi32>], vector<16xf32>,
        %ne3A_210 = arith.constant 255 : i32
        %ne3A_211 = vector.broadcast %ne3A_210 : i32 to vector<16xi32>
        %ne3A_212 = arith.cmpi ne, %get3A_203, %ne3A_211 : vector<16xi32>
        %jit3A_213 = arith.constant 0.000000e+00 : f32
        %broadcast_in_dim3A_214 = vector.broadcast %jit3A_213 : f32 to vector<16xf32>
        %select_n3A_215 = arith.select %ne3A_212, %gather3A, %broadcast_in_dim3A_214 : vector<16xi1>, vector<16xf32>
        %get3A_216 = arith.constant 0 : index
        %get3A_217 = tpu.vector_load %arg9[%get3A_216] {strides = array<i32>} : memref<16xf32, #tpu.memory_space<vmem>>, vector<16xf32>,
        %add3A_218 = arith.addf %get3A_217, %select_n3A_215 : vector<16xf32>
        %swap3A_219 = arith.constant 0 : index
        %swap3A_220 = tpu.vector_load %arg9[%swap3A_219] {strides = array<i32>} : memref<16xf32, #tpu.memory_space<vmem>>, vector<16xf32>,
        tpu.vector_store %arg9[%swap3A_219], %add3A_218 {strides = array<i32>} : memref<16xf32, #tpu.memory_space<vmem>>, vector<16xf32>,
      }
      %scan3A_130 = arith.constant 128 : i32
      %add3A_131 = arith.constant 2 : i32
      %add3A_132 = arith.addi %add3A_28, %add3A_131 : i32
      %lt3A_133 = arith.constant 32 : i32
      %lt3A_134 = arith.cmpi slt, %add3A_132, %lt3A_133 : i32
      %convert_element_type3A = arith.extui %lt3A_134 : i1 to i32
      %cond3A = arith.constant 0 : i32
      %cond3A_135 = arith.cmpi ne, %convert_element_type3A, %cond3A : i32
      scf.if %cond3A_135 {
        %add3A_196 = arith.constant 2 : i32
        %add3A_197 = arith.addi %add3A_28, %add3A_196 : i32
        %jit3A_198 = arith.constant 4 : i32
        %div3A_199 = arith.divsi %add3A_197, %jit3A_198 : i32
        %sign3A_200 = arith.constant 0 : i32
        %sign3A_201 = arith.cmpi sgt, %add3A_197, %sign3A_200 : i32
        %sign3A_202 = arith.extui %sign3A_201 : i1 to i32
        %sign3A_203 = arith.constant 0 : i32
        %sign3A_204 = arith.cmpi slt, %add3A_197, %sign3A_203 : i32
        %sign3A_205 = arith.extui %sign3A_204 : i1 to i32
        %sign3A_206 = arith.subi %sign3A_202, %sign3A_205 : i32
        %sign3A_207 = arith.constant 0 : i32
        %sign3A_208 = arith.cmpi sgt, %jit3A_198, %sign3A_207 : i32
        %sign3A_209 = arith.extui %sign3A_208 : i1 to i32
        %sign3A_210 = arith.constant 0 : i32
        %sign3A_211 = arith.cmpi slt, %jit3A_198, %sign3A_210 : i32
        %sign3A_212 = arith.extui %sign3A_211 : i1 to i32
        %sign3A_213 = arith.subi %sign3A_209, %sign3A_212 : i32
        %ne3A_214 = arith.cmpi ne, %sign3A_206, %sign3A_213 : i32
        %rem3A_215 = arith.remsi %add3A_197, %jit3A_198 : i32
        %ne3A_216 = arith.constant 0 : i32
        %ne3A_217 = arith.cmpi ne, %rem3A_215, %ne3A_216 : i32
        %and3A_218 = arith.andi %ne3A_214, %ne3A_217 : i1
        %sub3A_219 = arith.constant 1 : i32
        %sub3A_220 = arith.subi %div3A_199, %sub3A_219 : i32
        %select_n3A_221 = arith.select %and3A_218, %sub3A_220, %div3A_199 : i32
        %jit3A_222 = arith.constant 4 : i32
        %eq3A_223 = arith.constant 0 : i32
        %eq3A_224 = arith.cmpi eq, %jit3A_222, %eq3A_223 : i32
        %jit3A_225 = arith.constant 1 : i32
        %select_n3A_226 = arith.select %eq3A_224, %jit3A_225, %jit3A_222 : i32
        %rem3A_227 = arith.remsi %add3A_197, %select_n3A_226 : i32
        %ne3A_228 = arith.constant 0 : i32
        %ne3A_229 = arith.cmpi ne, %rem3A_227, %ne3A_228 : i32
        %lt3A_230 = arith.constant 0 : i32
        %lt3A_231 = arith.cmpi slt, %rem3A_227, %lt3A_230 : i32
        %lt3A_232 = arith.constant 0 : i32
        %lt3A_233 = arith.cmpi slt, %select_n3A_226, %lt3A_232 : i32
        %ne3A_234 = arith.xori %lt3A_231, %lt3A_233 : i1
        %and3A_235 = arith.andi %ne3A_234, %ne3A_229 : i1
        %add3A_236 = arith.addi %rem3A_227, %select_n3A_226 : i32
        %select_n3A_237 = arith.select %and3A_235, %add3A_236, %rem3A_227 : i32
        %mul3A_238 = arith.constant 2048 : i32
        %mul3A_239 = arith.muli %select_n3A_237, %mul3A_238 : i32
        %add3A_240 = arith.addi %mul3A_2, %mul3A_239 : i32
        %dma_start3A_241 = arith.constant 0 : i32
        %dma_start3A_242 = tpu.memref_slice %arg2[%select_n3A_221, %dma_start3A_241, %add3A_240] : memref<8x19x262144xf32, #tpu.memory_space<hbm>> -> memref<1x19x2048xf32, #tpu.memory_space<hbm>>
        %dma_start3A_243 = tpu.memref_squeeze %dma_start3A_242 : memref<1x19x2048xf32, #tpu.memory_space<hbm>> -> memref<19x2048xf32, #tpu.memory_space<hbm>>
        %dma_start3A_244 = arith.constant 0 : i32
        %dma_start3A_245 = tpu.memref_slice %arg2[%select_n3A_221, %dma_start3A_244, %add3A_240] : memref<8x19x262144xf32, #tpu.memory_space<hbm>> -> memref<1x19x2048xf32, #tpu.memory_space<hbm>>
        %dma_start3A_246 = tpu.memref_squeeze %dma_start3A_245 : memref<1x19x2048xf32, #tpu.memory_space<hbm>> -> memref<19x2048xf32, #tpu.memory_space<hbm>>
        tpu.enqueue_dma source(%dma_start3A_246 : memref<19x2048xf32, #tpu.memory_space<hbm>>) target(%arg5 : memref<19x2048xf32, #tpu.memory_space<vmem>>) target_semaphore(%arg10 : memref<!tpu.dma_semaphore, #tpu.memory_space<semaphore_mem>>)
        %dma_start3A_247 = tpu.memref_slice %arg3[%select_n3A_221, %add3A_240] : memref<8x262144xi32, #tpu.memory_space<hbm>> -> memref<1x2048xi32, #tpu.memory_space<hbm>>
        %dma_start3A_248 = tpu.memref_squeeze %dma_start3A_247 : memref<1x2048xi32, #tpu.memory_space<hbm>> -> memref<2048xi32, #tpu.memory_space<hbm>>
        %dma_start3A_249 = tpu.memref_slice %arg3[%select_n3A_221, %add3A_240] : memref<8x262144xi32, #tpu.memory_space<hbm>> -> memref<1x2048xi32, #tpu.memory_space<hbm>>
        %dma_start3A_250 = tpu.memref_squeeze %dma_start3A_249 : memref<1x2048xi32, #tpu.memory_space<hbm>> -> memref<2048xi32, #tpu.memory_space<hbm>>
        tpu.enqueue_dma source(%dma_start3A_250 : memref<2048xi32, #tpu.memory_space<hbm>>) target(%arg7 : memref<2048xi32, #tpu.memory_space<vmem>>) target_semaphore(%arg10 : memref<!tpu.dma_semaphore, #tpu.memory_space<semaphore_mem>>)
      } else {
      }
      %add3A_136 = arith.constant 1 : i32
      %add3A_137 = arith.addi %add3A_28, %add3A_136 : i32
      %jit3A_138 = arith.constant 4 : i32
      %div3A_139 = arith.divsi %add3A_137, %jit3A_138 : i32
      %sign3A_140 = arith.constant 0 : i32
      %sign3A_141 = arith.cmpi sgt, %add3A_137, %sign3A_140 : i32
      %sign3A_142 = arith.extui %sign3A_141 : i1 to i32
      %sign3A_143 = arith.constant 0 : i32
      %sign3A_144 = arith.cmpi slt, %add3A_137, %sign3A_143 : i32
      %sign3A_145 = arith.extui %sign3A_144 : i1 to i32
      %sign3A_146 = arith.subi %sign3A_142, %sign3A_145 : i32
      %sign3A_147 = arith.constant 0 : i32
      %sign3A_148 = arith.cmpi sgt, %jit3A_138, %sign3A_147 : i32
      %sign3A_149 = arith.extui %sign3A_148 : i1 to i32
      %sign3A_150 = arith.constant 0 : i32
      %sign3A_151 = arith.cmpi slt, %jit3A_138, %sign3A_150 : i32
      %sign3A_152 = arith.extui %sign3A_151 : i1 to i32
      %sign3A_153 = arith.subi %sign3A_149, %sign3A_152 : i32
      %ne3A_154 = arith.cmpi ne, %sign3A_146, %sign3A_153 : i32
      %rem3A_155 = arith.remsi %add3A_137, %jit3A_138 : i32
      %ne3A_156 = arith.constant 0 : i32
      %ne3A_157 = arith.cmpi ne, %rem3A_155, %ne3A_156 : i32
      %and3A_158 = arith.andi %ne3A_154, %ne3A_157 : i1
      %sub3A_159 = arith.constant 1 : i32
      %sub3A_160 = arith.subi %div3A_139, %sub3A_159 : i32
      %select_n3A_161 = arith.select %and3A_158, %sub3A_160, %div3A_139 : i32
      %jit3A_162 = arith.constant 4 : i32
      %eq3A_163 = arith.constant 0 : i32
      %eq3A_164 = arith.cmpi eq, %jit3A_162, %eq3A_163 : i32
      %jit3A_165 = arith.constant 1 : i32
      %select_n3A_166 = arith.select %eq3A_164, %jit3A_165, %jit3A_162 : i32
      %rem3A_167 = arith.remsi %add3A_137, %select_n3A_166 : i32
      %ne3A_168 = arith.constant 0 : i32
      %ne3A_169 = arith.cmpi ne, %rem3A_167, %ne3A_168 : i32
      %lt3A_170 = arith.constant 0 : i32
      %lt3A_171 = arith.cmpi slt, %rem3A_167, %lt3A_170 : i32
      %lt3A_172 = arith.constant 0 : i32
      %lt3A_173 = arith.cmpi slt, %select_n3A_166, %lt3A_172 : i32
      %ne3A_174 = arith.xori %lt3A_171, %lt3A_173 : i1
      %and3A_175 = arith.andi %ne3A_174, %ne3A_169 : i1
      %add3A_176 = arith.addi %rem3A_167, %select_n3A_166 : i32
      %select_n3A_177 = arith.select %and3A_175, %add3A_176, %rem3A_167 : i32
      %mul3A_178 = arith.constant 2048 : i32
      %mul3A_179 = arith.muli %select_n3A_177, %mul3A_178 : i32
      %add3A_180 = arith.addi %mul3A_2, %mul3A_179 : i32
      %dma_wait3A_181 = arith.constant 0 : i32
      %dma_wait3A_182 = tpu.memref_slice %arg2[%select_n3A_161, %dma_wait3A_181, %add3A_180] : memref<8x19x262144xf32, #tpu.memory_space<hbm>> -> memref<1x19x2048xf32, #tpu.memory_space<hbm>>
      %dma_wait3A_183 = tpu.memref_squeeze %dma_wait3A_182 : memref<1x19x2048xf32, #tpu.memory_space<hbm>> -> memref<19x2048xf32, #tpu.memory_space<hbm>>
      %dma_wait3A_184 = arith.constant 0 : i32
      %dma_wait3A_185 = tpu.memref_slice %arg2[%select_n3A_161, %dma_wait3A_184, %add3A_180] : memref<8x19x262144xf32, #tpu.memory_space<hbm>> -> memref<1x19x2048xf32, #tpu.memory_space<hbm>>
      %dma_wait3A_186 = tpu.memref_squeeze %dma_wait3A_185 : memref<1x19x2048xf32, #tpu.memory_space<hbm>> -> memref<19x2048xf32, #tpu.memory_space<hbm>>
      tpu.wait_dma2 semaphore(%arg11 : memref<!tpu.dma_semaphore, #tpu.memory_space<semaphore_mem>>) src(%dma_wait3A_186 : memref<19x2048xf32, #tpu.memory_space<hbm>>) dst(%arg6 : memref<19x2048xf32, #tpu.memory_space<vmem>>)
      %dma_wait3A_187 = tpu.memref_slice %arg3[%select_n3A_161, %add3A_180] : memref<8x262144xi32, #tpu.memory_space<hbm>> -> memref<1x2048xi32, #tpu.memory_space<hbm>>
      %dma_wait3A_188 = tpu.memref_squeeze %dma_wait3A_187 : memref<1x2048xi32, #tpu.memory_space<hbm>> -> memref<2048xi32, #tpu.memory_space<hbm>>
      %dma_wait3A_189 = tpu.memref_slice %arg3[%select_n3A_161, %add3A_180] : memref<8x262144xi32, #tpu.memory_space<hbm>> -> memref<1x2048xi32, #tpu.memory_space<hbm>>
      %dma_wait3A_190 = tpu.memref_squeeze %dma_wait3A_189 : memref<1x2048xi32, #tpu.memory_space<hbm>> -> memref<2048xi32, #tpu.memory_space<hbm>>
      tpu.wait_dma2 semaphore(%arg11 : memref<!tpu.dma_semaphore, #tpu.memory_space<semaphore_mem>>) src(%dma_wait3A_190 : memref<2048xi32, #tpu.memory_space<hbm>>) dst(%arg8 : memref<2048xi32, #tpu.memory_space<vmem>>)
      %scan3A_191 = arith.constant 0 : i32
      %scan3A_192 = arith.constant 128 : i32
      %scan3A_193 = arith.addi %scan3A_191, %scan3A_192 : i32
      %scan3A_194 = arith.constant 1 : i32
      scf.for %scan3A_196 = %scan3A_191 to %scan3A_193 step %scan3A_194  : i32 {
        %mul3A_197 = arith.constant 1 : i32
        %mul3A_198 = arith.muli %scan3A_196, %mul3A_197 : i32
        %add3A_199 = arith.constant 0 : i32
        %add3A_200 = arith.addi %add3A_199, %mul3A_198 : i32
        %mul3A_201 = arith.constant 16 : i32
        %mul3A_202 = arith.muli %add3A_200, %mul3A_201 : i32
        %get3A = arith.index_cast %mul3A_202 : i32 to index
        %get3A_203 = tpu.vector_load %arg8[%get3A] {strides = array<i32>} : memref<2048xi32, #tpu.memory_space<vmem>>, vector<16xi32>,
        %iota3A = tpu.iota {dimensions = array<i32: 0>} : vector<16xi32>
        %mul3A_204 = arith.constant 16 : i32
        %mul3A_205 = arith.muli %add3A_200, %mul3A_204 : i32
        %add3A_206 = vector.broadcast %mul3A_205 : i32 to vector<16xi32>
        %add3A_207 = arith.addi %iota3A, %add3A_206 : vector<16xi32>
        %min3A = arith.constant 18 : i32
        %min3A_208 = vector.broadcast %min3A : i32 to vector<16xi32>
        %min3A_209 = arith.minsi %get3A_203, %min3A_208 : vector<16xi32>
        %gather3A = tpu.vector_load_idx %arg6[%min3A_209, %add3A_207] : memref<19x2048xf32, #tpu.memory_space<vmem>>[vector<16xi32>, vector<16xi32>], vector<16xf32>,
        %ne3A_210 = arith.constant 255 : i32
        %ne3A_211 = vector.broadcast %ne3A_210 : i32 to vector<16xi32>
        %ne3A_212 = arith.cmpi ne, %get3A_203, %ne3A_211 : vector<16xi32>
        %jit3A_213 = arith.constant 0.000000e+00 : f32
        %broadcast_in_dim3A_214 = vector.broadcast %jit3A_213 : f32 to vector<16xf32>
        %select_n3A_215 = arith.select %ne3A_212, %gather3A, %broadcast_in_dim3A_214 : vector<16xi1>, vector<16xf32>
        %get3A_216 = arith.constant 0 : index
        %get3A_217 = tpu.vector_load %arg9[%get3A_216] {strides = array<i32>} : memref<16xf32, #tpu.memory_space<vmem>>, vector<16xf32>,
        %add3A_218 = arith.addf %get3A_217, %select_n3A_215 : vector<16xf32>
        %swap3A_219 = arith.constant 0 : index
        %swap3A_220 = tpu.vector_load %arg9[%swap3A_219] {strides = array<i32>} : memref<16xf32, #tpu.memory_space<vmem>>, vector<16xf32>,
        tpu.vector_store %arg9[%swap3A_219], %add3A_218 {strides = array<i32>} : memref<16xf32, #tpu.memory_space<vmem>>, vector<16xf32>,
      }
      %scan3A_195 = arith.constant 128 : i32
    }
    %scan3A_21 = arith.constant 16 : i32
    %mul3A_22 = arith.constant 16 : i32
    %mul3A_23 = arith.muli %add3A, %mul3A_22 : i32
    "tpu.region"() ({
      %run_scoped3A = tpu.sem_alloc : memref<!tpu.dma_semaphore, #tpu.memory_space<semaphore_mem>>
      %dma_start3A_24 = tpu.memref_slice %arg4[%mul3A_23] : memref<512xf32, #tpu.memory_space<hbm>> -> memref<16xf32, #tpu.memory_space<hbm>>
      %dma_start3A_25 = tpu.memref_slice %arg4[%mul3A_23] : memref<512xf32, #tpu.memory_space<hbm>> -> memref<16xf32, #tpu.memory_space<hbm>>
      tpu.enqueue_dma source(%arg9 : memref<16xf32, #tpu.memory_space<vmem>>) target(%dma_start3A_25 : memref<16xf32, #tpu.memory_space<hbm>>) target_semaphore(%run_scoped3A : memref<!tpu.dma_semaphore, #tpu.memory_space<semaphore_mem>>)
      %dma_wait3A = tpu.memref_slice %arg4[%mul3A_23] : memref<512xf32, #tpu.memory_space<hbm>> -> memref<16xf32, #tpu.memory_space<hbm>>
      %dma_wait3A_26 = tpu.memref_slice %arg4[%mul3A_23] : memref<512xf32, #tpu.memory_space<hbm>> -> memref<16xf32, #tpu.memory_space<hbm>>
      tpu.wait_dma2 semaphore(%run_scoped3A : memref<!tpu.dma_semaphore, #tpu.memory_space<semaphore_mem>>) src(%arg9 : memref<16xf32, #tpu.memory_space<vmem>>) dst(%dma_wait3A_26 : memref<16xf32, #tpu.memory_space<hbm>>)
      tpu.yield
    }) : () -> ()
    return
  }
}

</mosaic_0001>

<sc_bundles>
// kernel: kernel.3.cloned.1.call-start
scs
__scs_entry_jumppad:
0x0: {  	(pc) =	sbr.rel $0x88, $3  }
0x1: {  	(tag) =	ssettag $0x0;
	lr =	simm.s32 $0x1  }
0x2: {  	[smem:$0x3F9F] =	sst lr;
	_ =	strace $0xD0000000  }
0x3: {  	_ = 	snop  }
0x4: {  	_ = 	snop  }
0x5: {  	_ = 	snop  }
0x6: {  	_ = 	snop  }
0x7: {  	_ = 	snop  }
__scs_overlays_trampoline_lowered:
0x8: {  	[smem:$0x3FAE] =	sst s0  }
0x9: {  	[smem:$0x3FAF] =	sst s1  }
0xa: {  	[smem:$0x3FB0] =	sst s2  }
0xb: {  	[smem:$0x3FB1] =	sst s3  }
0xc: {  	[smem:$0x3FB2] =	sst s4  }
0xd: {  	[smem:$0x3FB3] =	sst s5  }
0xe: {  	[smem:$0x3FB4] =	sst s6  }
0xf: {  	[smem:$0x3FB5] =	sst s7  }
0x10: {  	[smem:$0x3FB6] =	sst s8  }
0x11: {  	[smem:$0x3FB7] =	sst s9;
	s0 =	simm.s32 @!p0 $0x0  }
0x12: {  	s1 =	sld [smem:$0x3F9D];
	s0 =	simm.s32 @p0 $0x1  }
0x13: {  	[smem:$0x3FB8] =	sst s0;
	s0 =	simm.s32 @!p1 $0x0  }
0x14: {  	s2 =	sld [smem:$0x3F9C];
	s0 =	simm.s32 @p1 $0x1  }
0x15: {  	[smem:$0x3FB9] =	sst s0;
	s0 =	simm.s32 @!p2 $0x0  }
0x16: {  	s3 =	sld [smem:$0x3FDB];
	s0 =	simm.s32 @p2 $0x1  }
0x17: {  	s4 =	simm.s32 $0x1BF5;
	[smem:$0x3FBB] =	sst s0  }
0x18: {  	s0 =	sld [smem:$0x3F9E];
	_ =	swait.ge [sflag:s4], $0x0  }
0x19: {  	s7 =	sld [smem:$0x3F9F]  }
0x1a: {  	s8 =	sadd.s32 $0xFFFFE003, lr  }
0x1b: {  	s9 =	sadd.s32 $0xFFFFFEF7, lr;
	s5 =	simm.s32 $0xFFFFFFFF;
	p2 =	slt.u32 s8, $0xFFFFF086  }
0x1c: {  	p1 =	slt.u32 s9, $0xF7A;
	s5 =	simm.s32 @!p2 $0x0  }
0x1d: {  	s5 =	simm.s32 @p1 $0x1;
	p0 =	seq.s32 s7, s2  }
0x1e: {  	s7 =	smul.u32 @!p0 $0xF7A, s2;
	p2 =	seq.s32 @!p0 s5, $0x0  }
0x1f: {  	s9 =	smul.u32 $0xF7A, s1;
	s8 =	simm.s32 @!p0 $0x1BF5;
	p2 =	por !p2, p0  }
0x20: {  	[sflag:s8] =	ssyncset.s32 @!p0 $0xFFFFF086;
	s6 =	sadd.s32 @!p0 s3, s7;
	s7 =	simm.s32 @!p0 $0x108  }
0x21: {  	s3 =	sadd.s32 s3, s9;
	s6 =	sadd.s32 @!p0 $0x88, s6;
	s7 =	simm.s32 @p2 $0x1082  }
0x22: {  	[simem:s7], [sflag:s8] =	dma.local @!p0 [hbm:s6], $0xF7A  }
0x23: {  	s9 =	sor.u32 $0xD0000000, s2;
	s6 =	simm.s32 $0x108;
	_ =	swait.ge @!p0 [sflag:s8], $0x0  }
0x24: {  	s3 =	sadd.s32 $0x88, s3;
	s6 =	simm.s32 @!p1 $0x1082;
	[sflag:s4] =	ssyncset.s32 $0xFFFFF086  }
0x25: {  	[simem:s6], [sflag:s4] =	dma.local [hbm:s3], $0xF7A  }
0x26: {  	[smem:$0x3F9F] =	sst s1;
	(tag) =	ssettag s2;
	_ =	strace s9  }
0x27: {  	s1 =	sld [smem:$0x3FAF]  }
0x28: {  	s2 =	sld [smem:$0x3FB0]  }
0x29: {  	s4 =	sld [smem:$0x3FB2]  }
0x2a: {  	p0 =	seq.s32 s5, $0x0;
	s5 =	sld [smem:$0x3FB3]  }
0x2b: {  	s6 =	sld [smem:$0x3FB4]  }
0x2c: {  	s7 =	sld [smem:$0x3FB5]  }
0x2d: {  	s3 =	simm.s32 $0x108;
	s8 =	sld [smem:$0x3FB6]  }
0x2e: {  	s3 =	simm.s32 @!p0 $0x1082;
	s9 =	sld [smem:$0x3FB7]  }
0x2f: {  	lr =	sadd.s32 s0, s3;
	s0 =	sld [smem:$0x3FAE]  }
0x30: {  	s3 =	sld [smem:$0x3FB1]  }
0x31: {  	[smem:$0x3FBA] =	sst s10  }
0x32: {  	s10 =	sld [smem:$0x3FB8];
	_ =	sdelay $0x3  }
0x33: {  	p0 =	seq.s32 s10, $0x1;
	s10 =	sld [smem:$0x3FBA];
	_ =	sdelay $0x3  }
0x34: {  	[smem:$0x3FBA] =	sst s10  }
0x35: {  	s10 =	sld [smem:$0x3FB9];
	_ =	sdelay $0x3  }
0x36: {  	p1 =	seq.s32 s10, $0x1;
	s10 =	sld [smem:$0x3FBA];
	_ =	sdelay $0x3  }
0x37: {  	[smem:$0x3FBA] =	sst s10  }
0x38: {  	s10 =	sld [smem:$0x3FBB]  }
0x39: {  	_ = 	snop;
	(pc) =	sbr.ind lr, $3  }
0x3a: {  	_ = 	snop  }
0x3b: {  	_ = 	snop  }
0x3c: {  	p2 =	seq.s32 s10, $0x1;
	s10 =	sld [smem:$0x3FBA]  }
0x3d: {  	_ =	shalt  }
0x3e: {  	_ =	shalt  }
0x3f: {  	_ =	shalt  }
0x40: {  	_ =	shalt  }
0x41: {  	_ =	shalt  }
0x42: {  	_ =	shalt  }
0x43: {  	_ =	shalt  }
0x44: {  	_ =	shalt  }
0x45: {  	_ =	shalt  }
0x46: {  	_ =	shalt  }
0x47: {  	_ =	shalt  }
0x48: {  	_ =	shalt  }
0x49: {  	_ =	shalt  }
0x4a: {  	_ =	shalt  }
0x4b: {  	_ =	shalt  }
0x4c: {  	_ =	shalt  }
0x4d: {  	_ =	shalt  }
0x4e: {  	_ =	shalt  }
0x4f: {  	_ =	shalt  }
0x50: {  	_ =	shalt  }
0x51: {  	_ =	shalt  }
0x52: {  	_ =	shalt  }
0x53: {  	_ =	shalt  }
0x54: {  	_ =	shalt  }
0x55: {  	_ =	shalt  }
0x56: {  	_ =	shalt  }
0x57: {  	_ =	shalt  }
0x58: {  	_ =	shalt  }
0x59: {  	_ =	shalt  }
0x5a: {  	_ =	shalt  }
0x5b: {  	_ =	shalt  }
0x5c: {  	_ =	shalt  }
0x5d: {  	_ =	shalt  }
0x5e: {  	_ =	shalt  }
0x5f: {  	_ =	shalt  }
0x60: {  	_ =	shalt  }
0x61: {  	_ =	shalt  }
0x62: {  	_ =	shalt  }
0x63: {  	_ =	shalt  }
0x64: {  	_ =	shalt  }
0x65: {  	_ =	shalt  }
0x66: {  	_ =	shalt  }
0x67: {  	_ =	shalt  }
0x68: {  	_ =	shalt  }
0x69: {  	_ =	shalt  }
0x6a: {  	_ =	shalt  }
0x6b: {  	_ =	shalt  }
0x6c: {  	_ =	shalt  }
0x6d: {  	_ =	shalt  }
0x6e: {  	_ =	shalt  }
0x6f: {  	_ =	shalt  }
0x70: {  	_ =	shalt  }
0x71: {  	_ =	shalt  }
0x72: {  	_ =	shalt  }
0x73: {  	_ =	shalt  }
0x74: {  	_ =	shalt  }
0x75: {  	_ =	shalt  }
0x76: {  	_ =	shalt  }
0x77: {  	_ =	shalt  }
0x78: {  	_ =	shalt  }
0x79: {  	_ =	shalt  }
0x7a: {  	_ =	shalt  }
0x7b: {  	_ =	shalt  }
0x7c: {  	_ =	shalt  }
0x7d: {  	_ =	shalt  }
0x7e: {  	_ =	shalt  }
0x7f: {  	_ =	shalt  }
0x80: {  	_ =	shalt  }
0x81: {  	_ =	shalt  }
0x82: {  	_ =	shalt  }
0x83: {  	_ =	shalt  }
0x84: {  	_ =	shalt  }
0x85: {  	_ =	shalt  }
0x86: {  	_ =	shalt  }
0x87: {  	_ =	shalt  }
.Lfunc_end0:
.L_simem_size_0:
called_computation.1_lowered:
.L_overlay_start_0:
0x88: {  	s2 =	sld [smem:$0x3FD9]  }
0x89: {  	s3 =	sld [smem:$0x3FFE];
	_ =	sdelay $0x1  }
0x8a: {  	s1 =	srdreg.scid  }
0x8b: {  	s0 =	sand.u32 $0x1, s1  }
0x8c: {  	s16 =	sshll.u32 s0, $0xA;
	s2 =	sadd.s32 s3, s2  }
0x8d: {  	s2 =	sadd.s32 s2, s16  }
0x8e: {  	[smem:$0x3FC6] =	sst s2  }
0x8f: {  	_ = 	snop  }
0x90: {  	(tm) =	ssettm $0x1  }
0x91: {  	s17 =	sld [smem:$0x3FFB];
	_ =	sdelay $0x3  }
0x92: {  	_ =	strace s17  }
0x93: {  	s2 =	sld [smem:$0x3FFC];
	_ =	sdelay $0x3  }
0x94: {  	_ =	strace s2  }
0x95: {  	s2 =	sld [smem:$0x3FFD];
	_ =	sdelay $0x3  }
0x96: {  	_ =	strace s2  }
0x97: {  	_ =	strace $0x8FFFFFFF  }
0x98: {  	s18 =	sld [smem:$0x3FDB];
	_ =	sdelay $0x1  }
0x99: {  	s19 =	simm.s32 $_scs_section_size  }
0x9a: {  	s4 =	simm.s32 $_size__tile_overlayer_lowered;
	s5 =	simm.s32 $_tile_overlayer_lowered  }
0x9b: {  	s22 =	simm.s32 $0x1BFF;
	s21 =	sshll.u32 s5, $0x1;
	s2 =	sadd.s32 s19, s18  }
0x9c: {  	s6 =	simm.s32 $0x0;
	s20 =	sshll.u32 s4, $0x1;
	s4 =	sadd.s32 s21, s2  }
0x9d: {  	[timem:s6], [sflag:s22] =	dma.local [hbm:s4], s20  }
0x9e: {  	_ =	swait.ge [sflag:s22], s20  }
0x9f: {  	s3 =	ssub.s32 $0x0, s20;
	[sflag:s22] =	ssyncset.done $0x0  }
0xa0: {  	[sflag:s22] =	ssyncadd.s32 s3;
	_ =	sdelay $0x1  }
0xa1: {  	s23 =	simm.s32 $0x1B8B  }
0xa2: {  	_ =	swait.ge [sflag:s23], $0x1  }
0xa3: {  	[sflag:s23] =	ssyncset.done $0x0  }
0xa4: {  	s25 =	simm.s32 $0x1B8E;
	s24 =	sld [smem:$0x3FFE];
	[sflag:s23] =	ssyncadd.s32 $0xFFFFFFFF  }
0xa5: {  	s26 =	simm.s32 $execute0_lowered;
	[smem:$0x3FD2] =	sst s25  }
0xa6: {  	s4 =	sshll.u32 s26, $0x1;
	_ =	strace $0x80000049;
	[dreg:$0x1] =	wrdreg $0xFFFFFFFF  }
0xa7: {  	s28 =	simm.s32 $_size_execute0_lowered;
	s2 =	sadd.s32 s2, s4;
	[dreg:$0x0] =	wrdreg $0x0  }
0xa8: {  	s4 =	sshll.u32 s28, $0x1;
	[dreg:$0x2] =	wrdreg s2  }
0xa9: {  	[dreg:$0x3] =	wrdreg s4  }
0xaa: {  	[dreg:$0x4] =	wrdreg $0xC0  }
0xab: {  	_ =	task [dreg:s6], $0x5FFFF  }
0xac: {  	[dreg:$0x1] =	wrdreg $0xFFFFFFFF  }
0xad: {  	[dreg:$0x0] =	wrdreg $0x60  }
0xae: {  	[dreg:$0x2] =	wrdreg s24  }
0xaf: {  	[dreg:$0x3] =	wrdreg $0x9  }
0xb0: {  	_ =	task.clear_ibuf [dreg:s6], $0x4FFFF;
	_ =	strace $0x90000049  }
0xb1: {  	s29 =	simm.s32 $0x9;
	_ =	strace $0x8000004B  }
0xb2: {  	_ =	swait.ge [sflag:s29], $0x1  }
0xb3: {  	[sflag:s29] =	ssyncadd.s32 $0xFFFFFFFF  }
0xb4: {  	_ =	strace $0x9000004B  }
0xb5: {  	_ =	sfence  }
0xb6: {  	s30 =	sld [smem:$0x0];
	_ =	sdelay $0x2  }
0xb7: {  	s31 =	sshll.u32 s1, $0xD;
	s1 =	sshrl.u32 s1, $0x2  }
0xb8: {  	s3 =	sand.u32 $0x4000, s31;
	s1 =	sadd.s32 s1, s30  }
0xb9: {  	s0 =	sor.u32 s3, s0;
	s1 =	sshll.u32 s1, $0x11  }
0xba: {  	s0 =	sor.u32 s1, s0  }
0xbb: {  	s0 =	sadd.s32 $0x8F2B, s0  }
0xbc: {  	[sflag:s0] =	ssyncadd.remote.s32 $0x1  }
0xbd: {  	_ =	sfence.sel $0xFFFF  }
0xbe: {  	[dreg:$0x0] =	wrdreg $0xFFFFFFFF;
	(pc) =	sbr.abs _section_cstart, $3  }
0xbf: {  	[dreg:$0x1] =	wrdreg $0xFFFFFFFF  }
0xc0: {  	_ =	task.clear_ibuf [dreg:s6], $0x2FFFF;
	_ =	strace $0x9FFFFFFF  }
0xc1: {  	(tm) =	ssettm $0x7FFFFFFF  }
tec
execute0_lowered:
.L_overlay_start_1:
0x0: {  	(tag) =	ssettag $0x1  }
0x1: {  	s5 =	rddreg [dreg:$0x0]  }
0x2: {  	s0 =	rddreg [dreg:$0x1];
	s2 =	simm.s32 $0x0;
	s3 =	srdreg.scid  }
0x3: {  	s1 =	stileid.u32;
	s11 =	simm.s32 $0x800;
	s12 =	simm.s32 $0x40000  }
0x4: {  	s13 =	simm.s32 $0x13000;
	s14 =	simm.s32 $0x9800;
	s15 =	simm.s32 $0x13800  }
0x5: {  	s16 =	simm.s32 $0x1;
	s17 =	simm.s32 $0x2;
	s18 =	simm.s32 $0x14000  }
0x6: {  	s19 =	simm.s32 $0x3;
	s20 =	simm.s32 $0x0;
	[smem:$0x7FF] =	sst s2  }
0x7: {  	s4 =	sand.u32 $0x1, s3;
	s29 =	sshll.u32 s1, $0x1;
	s3 =	sadd.s32 $0x600, s5  }
0x8: {  	_ =	strace $0x8000004A;
	s6 =	sor.u32 s4, s29;
	s8 =	ssub.s32 $0x2, s4  }
0x9: {  	s4 =	sadd.s32 $0x4C0600, s5;
	s7 =	sshll.u32 s6, $0x1;
	s30 =	sshrl.u32 s8, $0x1  }
0xa: {  	v2 =	vlaneseq.u32;
	s31 =	sshll.u32 s6, $0xA;
	s9 =	sadd.s32 s7, s5;
	s10 =	ssub.s32 s8, s30  }
0xb: {  	v1 =	vshrl.u32 v2, $0x3;
	s5 =	sshll.u32 s6, $0xD;
	s6 =	sadd.s32 s3, s31;
	s7 =	sadd.s32 s4, s31  }
0xc: {  	v0 =	vimm.f32 $0.0e+00;
	v2 =	vand.u32 $0x7, v2;
	v1 =	vmul.u32 $0x8, v1;
	s8 =	sadd.s32 $0x500600, s9;
	s9 =	smax.u32 s10, $0x1;
	s10 =	sor.u32 $0x800, s5  }
.LBB2_1:
0xd: {  	[tilespmem:$0x14000] =	vst v0  }
0xe: {  	[tilespmem:s2], [sflag:$0x1] =	stream.strided.gather [hbm4b:s6+s11], $0x9800, s12, s11, $0x38;
	[tilespmem:$0x14010] =	vst v63  }
0xf: {  	s21 =	simm.s32 $0x0  }
0x10: {  	[tilespmem:s13], [sflag:$0x1] =	stream.linear.gather [hbm4b:s7+s2], $0x800, $0x38;
	[tilespmem:$0x14010] =	vst v63  }
.LBB2_2:
0x11: {  	s22 =	sshrl.u32 s21, $0x1;
	s23 =	sshll.u32 s21, $0xC  }
0x12: {  	s24 =	smul.u32 $0x4C0000, s22;
	s23 =	sand.u32 $0x1000, s23  }
0x13: {  	s23 =	sor.u32 s10, s23  }
0x14: {  	s22 =	sshll.u32 s22, $0x12;
	s24 =	sor.u32 s24, s23  }
0x15: {  	s22 =	sor.u32 s22, s23;
	s24 =	sshrl.u32 s24, $0x3  }
0x16: {  	s22 =	sshrl.u32 s22, $0x3;
	s24 =	sadd.s32 s3, s24  }
0x17: {  	[tilespmem:s14], [sflag:$0x2] =	stream.strided.gather [hbm4b:s24+s11], $0x9800, s12, s11, $0x38;
	[tilespmem:$0x14010] =	vst v63  }
0x18: {  	s31 =	sadd.s32 s4, s22;
	s22 =	simm.s32 $0x0  }
0x19: {  	[tilespmem:s15], [sflag:$0x2] =	stream.linear.gather [hbm4b:s31+s22], $0x800, $0x38;
	[tilespmem:$0x14010] =	vst v63  }
0x1a: {  	_ =	swait.ge [sflag:s16], $0x9800  }
0x1b: {  	[sflag:s16] =	ssyncset.done $0x0  }
0x1c: {  	[sflag:s16] =	ssyncadd.s32 $0xFFFF6800  }
0x1d: {  	_ =	swait.ge [sflag:s16], $0x800  }
0x1e: {  	[sflag:s16] =	ssyncset.done $0x0  }
0x1f: {  	s23 =	simm.s32 $0x13000;
	[sflag:s16] =	ssyncadd.s32 $0xFFFFF800  }
0x20: {  	s24 =	simm.s32 $0x10;
	v3 =	vld [tilespmem:s23+$0x0]  }
.LBB2_3:
0x21: {  	p0 =	sne.s32 s24, $0x7F0;
	_ =	sdelay $0x3  }
0x22: {  	vm0 =	vlt.s32 v3, $0x12  }
0x23: {  	v4 =	vnsel vm0, $0x12, v3  }
0x24: {  	v4 =	vshll.u32 v4, $0xB  }
0x25: {  	v4 =	vadd.s32 s22, v4;
	s22 =	smov.u32 s24  }
0x26: {  	v4 =	vadd.s32 v2, v4  }
0x27: {  	v4 =	vadd.s32 v1, v4;
	_ =	sdelay $0x4  }
0x28: {  	v4 =	vld.idx.msk [tilespmem:v4+s2+$0x0], $0xffff;
	_ =	sdelay $0x1  }
0x29: {  	v5 =	vld [tilespmem:$0x14000];
	_ =	sdelay $0x2  }
0x2a: {  	vm0 =	veq.s32 v3, $0xFF  }
.Ltmp0:
0x2b: {  	v3 =	vsel vm0, $0x0, v4;
	(pc) =	sbr.rel @p0 .LBB2_3-.Ltmp0, $3  }
0x2c: {  	v3 =	vadd.f32 v3, v5;
	_ =	sdelay $0x1  }
0x2d: {  	s23 =	sadd.s32 $0x10, s23;
	[tilespmem:$0x14000] =	vst v3  }
0x2e: {  	s24 =	sadd.s32 $0x10, s24;
	v3 =	vld [tilespmem:s23+$0x0]  }
0x2f: {  	_ =	sdelay $0x3  }
0x30: {  	vm0 =	vlt.s32 v3, $0x12  }
0x31: {  	v4 =	vnsel vm0, $0x12, v3  }
0x32: {  	v4 =	vshll.u32 v4, $0xB  }
0x33: {  	v4 =	vadd.s32 s22, v4  }
0x34: {  	v4 =	vadd.s32 v2, v4  }
0x35: {  	v4 =	vadd.s32 v1, v4;
	_ =	sdelay $0x4  }
0x36: {  	p0 =	seq.s32 s21, $0xF;
	v4 =	vld.idx.msk [tilespmem:v4+s2+$0x0], $0xffff  }
0x37: {  	v5 =	vld [tilespmem:$0x14000];
	s22 =	sshll.u32 @!p0 s21, $0x1  }
0x38: {  	s22 =	sadd.s32 @!p0 $0x2, s22  }
0x39: {  	s23 =	sshrl.u32 @!p0 s22, $0x2;
	s22 =	sshll.u32 @!p0 s22, $0xB  }
0x3a: {  	vm15 =	veq.s32 v3, $0xFF;
	s24 =	smul.u32 @!p0 $0x4C0000, s23;
	s22 =	sand.u32 @!p0 $0x1000, s22  }
0x3b: {  	s22 =	sor.u32 @!p0 s5, s22;
	v3 =	vsel vm15, $0x0, v4  }
0x3c: {  	s25 =	simm.s32 @!p0 $0x800;
	s23 =	sshll.u32 @!p0 s23, $0x12;
	s24 =	sor.u32 @!p0 s24, s22;
	v3 =	vadd.f32 v3, v5  }
0x3d: {  	s26 =	simm.s32 @!p0 $0x40000;
	s22 =	sor.u32 @!p0 s23, s22;
	s24 =	sshrl.u32 @!p0 s24, $0x3  }
0x3e: {  	s28 =	simm.s32 @!p0 $0x0;
	s22 =	sshrl.u32 @!p0 s22, $0x3;
	s24 =	sadd.s32 @!p0 s3, s24;
	[tilespmem:$0x14000] =	vst v3  }
0x3f: {  	[tilespmem:s28], [sflag:$0x1] =	stream.strided.gather @!p0 [hbm4b:s24+s25], $0x9800, s26, s25, $0x38;
	[tilespmem:$0x14010] =	vst v63  }
0x40: {  	s23 =	simm.s32 @!p0 $0x13000;
	s22 =	sadd.s32 @!p0 s4, s22  }
0x41: {  	[tilespmem:s23], [sflag:$0x1] =	stream.linear.gather @!p0 [hbm4b:s22+s28], $0x800, $0x38;
	[tilespmem:$0x14010] =	vst v63  }
0x42: {  	_ =	swait.ge [sflag:s17], $0x9800  }
0x43: {  	[sflag:s17] =	ssyncset.done $0x0  }
0x44: {  	[sflag:s17] =	ssyncadd.s32 $0xFFFF6800  }
0x45: {  	_ =	swait.ge [sflag:s17], $0x800  }
0x46: {  	[sflag:s17] =	ssyncset.done $0x0  }
0x47: {  	s23 =	simm.s32 $0x13800;
	[sflag:s17] =	ssyncadd.s32 $0xFFFFF800  }
0x48: {  	s24 =	simm.s32 $0x10;
	s22 =	simm.s32 $0x0;
	v3 =	vld [tilespmem:s23+$0x0]  }
.LBB2_5:
0x49: {  	p0 =	sne.s32 s24, $0x7F0;
	_ =	sdelay $0x3  }
0x4a: {  	vm0 =	vlt.s32 v3, $0x12  }
0x4b: {  	v4 =	vnsel vm0, $0x12, v3  }
0x4c: {  	v4 =	vshll.u32 v4, $0xB  }
0x4d: {  	v4 =	vadd.s32 s22, v4;
	s22 =	smov.u32 s24  }
0x4e: {  	v4 =	vadd.s32 v2, v4  }
0x4f: {  	v4 =	vadd.s32 v1, v4;
	_ =	sdelay $0x4  }
0x50: {  	v4 =	vld.idx.msk [tilespmem:v4+s14+$0x0], $0xffff;
	_ =	sdelay $0x1  }
0x51: {  	v5 =	vld [tilespmem:$0x14000];
	_ =	sdelay $0x2  }
0x52: {  	vm0 =	veq.s32 v3, $0xFF  }
.Ltmp1:
0x53: {  	v3 =	vsel vm0, $0x0, v4;
	(pc) =	sbr.rel @p0 .LBB2_5-.Ltmp1, $3  }
0x54: {  	v3 =	vadd.f32 v3, v5;
	_ =	sdelay $0x1  }
0x55: {  	s23 =	sadd.s32 $0x10, s23;
	[tilespmem:$0x14000] =	vst v3  }
0x56: {  	s24 =	sadd.s32 $0x10, s24;
	v3 =	vld [tilespmem:s23+$0x0]  }
0x57: {  	_ =	sdelay $0x3  }
0x58: {  	vm0 =	vlt.s32 v3, $0x12  }
0x59: {  	v4 =	vnsel vm0, $0x12, v3  }
0x5a: {  	v4 =	vshll.u32 v4, $0xB  }
0x5b: {  	v4 =	vadd.s32 s22, v4  }
0x5c: {  	v4 =	vadd.s32 v2, v4  }
0x5d: {  	v4 =	vadd.s32 v1, v4;
	_ =	sdelay $0x4  }
0x5e: {  	v4 =	vld.idx.msk [tilespmem:v4+s14+$0x0], $0xffff  }
0x5f: {  	v5 =	vld [tilespmem:$0x14000]  }
0x60: {  	s21 =	sadd.s32 $0x1, s21  }
0x61: {  	p0 =	sne.s32 s21, $0x10  }
.Ltmp2:
0x62: {  	vm15 =	veq.s32 v3, $0xFF;
	(pc) =	sbr.rel @p0 .LBB2_2-.Ltmp2, $3  }
0x63: {  	v3 =	vsel vm15, $0x0, v4  }
0x64: {  	v3 =	vadd.f32 v3, v5;
	_ =	sdelay $0x1  }
0x65: {  	[tilespmem:$0x14000] =	vst v3  }
0x66: {  	s20 =	sadd.s32 $0x1, s20  }
0x67: {  	p0 =	sne.s32 s20, s9  }
.Ltmp3:
0x68: {  	_ = 	snop;
	(pc) =	sbr.rel @p0 .LBB2_1-.Ltmp3, $4  }
0x69: {  	[hbm4b:s8+s2] =	stream.linear.scatter [tilespmem:s18], [sflag:$0x3], $0x10, $0x38;
	[tilespmem:$0x14010] =	vst v63  }
0x6a: {  	_ =	swait.ge [sflag:s19], $0x10  }
0x6b: {  	[sflag:s19] =	ssyncset.done $0x0  }
0x6c: {  	[sflag:s19] =	ssyncadd.s32 $0xFFFFFFF0  }
0x6d: {  	_ =	sfence.sel $0x180000  }
0x6e: {  	[bflag:$0x0] =	sbarrier.arrive $0xFFFF  }
0x6f: {  	p0 =	sne.s32 s1, $0x0;
	_ =	strace $0x9000004A  }
0x70: {  	s0 =	sadd.s32 @!p0 $0x100000, s0;
	[bflag:$0x2] =	sbarrier.arrive $0xFFFF  }
0x71: {  	[sflag:s0] =	ssyncadd.tile.s32 @!p0 $0x1;
	_ =	shalt  }
.Lfunc_end2:
_tile_overlayer_lowered:
.L_overlay_start_2:
0x72: {  	(tag) =	ssettag $0x2  }
0x73: {  	s0 =	rddreg [dreg:$0x0];
	s2 =	stileid.u32  }
0x74: {  	s1 =	rddreg [dreg:$0x1];
	p0 =	sne.s32 s2, $0x0  }
0x75: {  	s3 =	rddreg [dreg:$0x2];
	[bflag:$0x3] =	sbarrier.arrive $0xFFFF;
	s2 =	simm.s32 @!p0 $0x1C03  }
0x76: {  	[timem:s3], [sflag:s2] =	dma.local @!p0 [hbm:s0], s1  }
0x77: {  	s0 =	simm.s32 @!p0 $0x3  }
0x78: {  	_ =	swait.ge @!p0 [sflag:s0], s1  }
0x79: {  	s1 =	ssub.s32 @!p0 $0x0, s1;
	[sflag:s0] =	ssyncset.done @!p0 $0x0  }
0x7a: {  	[sflag:s0] =	ssyncadd.s32 @!p0 s1  }
0x7b: {  	[bflag:$0x3] =	sbarrier.arrive $0xFFFF  }
0x7c: {  	_ =	shalt  }

// kernel: sparse-core-data-format-call.cloned.1.call-start
scs
called_computation_lowered:
.L_overlay_start_0:
0x0: {  	s2 =	sld [smem:$0x3FD9]  }
0x1: {  	s3 =	sld [smem:$0x3FFE];
	_ =	sdelay $0x1  }
0x2: {  	s1 =	srdreg.scid  }
0x3: {  	s0 =	sand.u32 $0x1, s1  }
0x4: {  	s18 =	sshll.u32 s0, $0xA;
	s2 =	sadd.s32 s3, s2  }
0x5: {  	s2 =	sadd.s32 s2, s18  }
0x6: {  	[smem:$0x3FC6] =	sst s2  }
0x7: {  	_ = 	snop  }
0x8: {  	s2 =	sld [smem:$0x3FC9];
	(tm) =	ssettm $0x1  }
0x9: {  	s19 =	sld [smem:$0x3FFB];
	_ =	sdelay $0x3  }
0xa: {  	_ =	strace s19  }
0xb: {  	s3 =	sld [smem:$0x3FFC];
	_ =	sdelay $0x3  }
0xc: {  	_ =	strace s3  }
0xd: {  	s3 =	sld [smem:$0x3FFD];
	_ =	sdelay $0x3  }
0xe: {  	_ =	strace s3  }
0xf: {  	_ =	strace $0x8FFFFFFF  }
0x10: {  	s20 =	sld [smem:$0x3FDB];
	_ =	sdelay $0x1  }
0x11: {  	s4 =	simm.s32 $_scs_section_size  }
0x12: {  	s5 =	simm.s32 $_size__tile_overlayer_lowered;
	s6 =	simm.s32 $_tile_overlayer_lowered  }
0x13: {  	s23 =	simm.s32 $0x1BFF;
	s22 =	sshll.u32 s6, $0x1;
	s3 =	sadd.s32 s4, s20  }
0x14: {  	s7 =	simm.s32 $0x0;
	s21 =	sshll.u32 s5, $0x1;
	s5 =	sadd.s32 s22, s3  }
0x15: {  	[timem:s7], [sflag:s23] =	dma.local [hbm:s5], s21  }
0x16: {  	_ =	swait.ge [sflag:s23], s21  }
0x17: {  	s4 =	ssub.s32 $0x0, s21;
	[sflag:s23] =	ssyncset.done $0x0  }
0x18: {  	[sflag:s23] =	ssyncadd.s32 s4;
	_ =	sdelay $0x1  }
0x19: {  	s24 =	simm.s32 $0x1B8B  }
0x1a: {  	_ =	swait.ge [sflag:s24], $0x1  }
0x1b: {  	[sflag:s24] =	ssyncset.done $0x0  }
0x1c: {  	s26 =	simm.s32 $0x1B8E;
	s25 =	sld [smem:$0x3FFE];
	[sflag:s24] =	ssyncadd.s32 $0xFFFFFFFF  }
0x1d: {  	s27 =	simm.s32 $execute0_lowered;
	[smem:$0x3FD2] =	sst s26  }
0x1e: {  	s5 =	sshll.u32 s27, $0x1;
	_ =	strace $0x80000046;
	[dreg:$0x1] =	wrdreg $0xFFFFFFFF  }
0x1f: {  	s28 =	simm.s32 $_size_execute0_lowered;
	s3 =	sadd.s32 s3, s5;
	[dreg:$0x0] =	wrdreg $0x0  }
0x20: {  	s5 =	sshll.u32 s28, $0x1;
	[dreg:$0x2] =	wrdreg s3  }
0x21: {  	[dreg:$0x3] =	wrdreg s5  }
0x22: {  	[dreg:$0x4] =	wrdreg $0xC0  }
0x23: {  	_ =	task [dreg:s7], $0x5FFFF  }
0x24: {  	[dreg:$0x1] =	wrdreg $0xFFFFFFFF  }
0x25: {  	[dreg:$0x0] =	wrdreg $0x60  }
0x26: {  	[dreg:$0x2] =	wrdreg s2  }
0x27: {  	[dreg:$0x3] =	wrdreg s25  }
0x28: {  	[dreg:$0x4] =	wrdreg $0x9  }
0x29: {  	_ =	task.clear_ibuf [dreg:s7], $0x5FFFF;
	_ =	strace $0x90000046  }
0x2a: {  	s29 =	simm.s32 $0x9;
	_ =	strace $0x80000048  }
0x2b: {  	_ =	swait.ge [sflag:s29], $0x1  }
0x2c: {  	[sflag:s29] =	ssyncadd.s32 $0xFFFFFFFF  }
0x2d: {  	_ =	strace $0x90000048  }
0x2e: {  	_ =	sfence  }
0x2f: {  	s30 =	sld [smem:$0x0];
	_ =	sdelay $0x2  }
0x30: {  	s31 =	sshll.u32 s1, $0xD;
	s1 =	sshrl.u32 s1, $0x2  }
0x31: {  	s3 =	sand.u32 $0x4000, s31;
	s1 =	sadd.s32 s1, s30  }
0x32: {  	s0 =	sor.u32 s3, s0;
	s1 =	sshll.u32 s1, $0x11  }
0x33: {  	s0 =	sor.u32 s1, s0  }
0x34: {  	s0 =	sadd.s32 $0x8F2B, s0  }
0x35: {  	[sflag:s0] =	ssyncadd.remote.s32 $0x1  }
0x36: {  	_ =	sfence.sel $0xFFFF  }
0x37: {  	[dreg:$0x0] =	wrdreg $0xFFFFFFFF;
	(pc) =	sbr.abs _section_cstart, $3  }
0x38: {  	[dreg:$0x1] =	wrdreg $0xFFFFFFFF  }
0x39: {  	_ =	task.clear_ibuf [dreg:s7], $0x2FFFF;
	_ =	strace $0x9FFFFFFF  }
0x3a: {  	(tm) =	ssettm $0x7FFFFFFF  }
0x3b: {  	_ =	shalt  }
tec
execute0_lowered:
.L_overlay_start_1:
0x0: {  	(tag) =	ssettag $0x1  }
0x1: {  	s0 =	srdreg.scid  }
0x2: {  	s1 =	sshll.u32 s0, $0x4  }
0x3: {  	s2 =	rddreg [dreg:$0x0];
	s0 =	stileid.u32;
	s1 =	sand.u32 $0x10, s1  }
0x4: {  	s4 =	rddreg [dreg:$0x1];
	s7 =	simm.s32 $0x1;
	s1 =	sor.u32 s0, s1  }
0x5: {  	s8 =	simm.s32 $0x2;
	s9 =	simm.s32 $0x0;
	s3 =	sshll.u32 s1, $0x2  }
0x6: {  	s12 =	simm.s32 $0x0;
	s11 =	simm.s32 $0x0;
	s6 =	ssub.s32 $0x2600, s3  }
.Ltmp0:
0x7: {  	s4 =	sadd.s32 $0x600, s4;
	s5 =	sand.u32 $0x7C, s6;
	(pc) =	sbr.rel .LBB1_1-.Ltmp0, $4  }
0x8: {  	s1 =	rddreg [dreg:$0x2];
	_ =	strace $0x80000047;
	p0 =	sne.s32 s5, $0x0  }
0x9: {  	s6 =	sshrl.u32 s6, $0x7;
	s5 =	simm.s32 $0x1;
	s7 =	simm.s32 @!p0 $0x0  }
0xa: {  	s10 =	smov.u32 s3;
	[sflag:s5] =	ssyncpa.u1 $0x0;
	s6 =	sadd.s32 s7, s6  }
0xb: {  	[sflag:s8] =	ssyncpa.u1 $0x0;
	s8 =	simm.s32 $0x0;
	s7 =	sadd.s32 $0x1, s6  }
.LBB1_9:
0xc: {  	s14 =	sadd.s32 $0x80, s10  }
0xd: {  	p1 =	sgt.s32 s14, $0x25FF  }
0xe: {  	s14 =	smov.u32 @p1 s3;
	p1 =	sne.s32 s11, s7  }
.Ltmp1:
0xf: {  	p0 =	slt.u32 s11, $0x2;
	(pc) =	sbr.rel @!p1 .LBB1_10-.Ltmp1, $4  }
0x10: {  	s13 =	simm.s32 @!p0 $0x2  }
0x11: {  	s15 =	sadd.s32 $0x1, s11;
	_ =	swait.ge @!p0 [sflag:s13], $0x4000  }
0x12: {  	s12 =	smov.u32 s10;
	s9 =	sadd.s32 $0x4000, s9;
	[sflag:s13] =	ssyncset.done @!p0 $0x0  }
0x13: {  	s11 =	smov.u32 s15;
	s10 =	smov.u32 s14;
	[sflag:s13] =	ssyncadd.s32 @!p0 $0xFFFFC000  }
.LBB1_1:
0x14: {  	p0 =	sge.u32 s11, s6  }
0x15: {  	s13 =	sxor.u32 @!p0 $0xFFFFFFFF, s11  }
0x16: {  	s31 =	sadd.s32 $0xFFFFFFFF, s11;
	s14 =	sshll.u32 @!p0 s10, $0x9;
	s13 =	sshll.u32 @!p0 s13, $0xE  }
0x17: {  	s15 =	simm.s32 @!p0 $0x0;
	s14 =	sadd.s32 @!p0 s2, s14;
	s13 =	sand.u32 @!p0 $0x4000, s13  }
0x18: {  	[tilespmem:s13], [sflag:$0x1] =	stream.linear.gather @!p0 [hbm4b:s14+s15], $0x4000, $0x38;
	[tilespmem:$0x10000] =	vst v63  }
0x19: {  	p0 =	sge.u32 s31, s6  }
.Ltmp2:
0x1a: {  	_ = 	snop;
	(pc) =	sbr.rel @p0 .LBB1_9-.Ltmp2, $1  }
0x1b: {  	_ =	sdelay $0x3  }
0x1c: {  	s14 =	sand.u32 $0x4000, s9  }
0x1d: {  	_ =	swait.ge [sflag:s5], $0x4000;
	s15 =	sshll.u32 s11, $0xE;
	s16 =	simm.s32 $0x0  }
0x1e: {  	s13 =	sor.u32 $0x40, s14;
	[sflag:s5] =	ssyncset.done $0x0;
	s15 =	sand.u32 $0x4000, s15  }
0x1f: {  	s14 =	sor.u32 $0x8040, s14;
	[sflag:s5] =	ssyncadd.s32 $0xFFFFC000;
	s15 =	sor.u32 $0x8000, s15  }
.LBB1_3:
0x20: {  	s17 =	smov.u32 s14;
	s18 =	smov.u32 s13;
	s19 =	simm.s32 $0x0  }
.LBB1_4:
0x21: {  	v0 =	vmov s17;
	v2 =	vld [tilespmem:s18+$0x30]  }
0x22: {  	v4 =	vld [tilespmem:s18+$0xFFFFFFD0]  }
0x23: {  	v6 =	vld [tilespmem:s18+$0xFFFFFFE0]  }
0x24: {  	v7 =	vld [tilespmem:s18+$0xFFFFFFF0]  }
0x25: {  	s20 =	simm.s32 $0x0;
	v1 =	vld [tilespmem:s18+$0x0]  }
0x26: {  	v3 =	vld [tilespmem:s18+$0x10];
	[tilespmem:v0+s20+$0x30 ss:$0x1] =	vst.idx.msk $0xffff, v2  }
0x27: {  	v5 =	vld [tilespmem:s18+$0x20];
	[tilespmem:v0+s20+$0xFFFFFFD0 ss:$0x1] =	vst.idx.msk $0xffff, v4  }
0x28: {  	s21 =	sadd.s32 $0x80, s18;
	v2 =	vld [tilespmem:s18+$0xFFFFFFC0];
	[tilespmem:v0+s20+$0xFFFFFFE0 ss:$0x1] =	vst.idx.msk $0xffff, v6  }
0x29: {  	s22 =	simm.s32 $0x800;
	s23 =	simm.s32 $0x1000;
	v4 =	vld [tilespmem:s21+$0x30];
	[tilespmem:v0+s20+$0xFFFFFFF0 ss:$0x1] =	vst.idx.msk $0xffff, v7  }
.LBB1_5:
0x2a: {  	p0 =	sne.s32 s23, $0x3800;
	v6 =	vld [tilespmem:s21+$0xFFFFFFD0];
	[tilespmem:v0+s20+$0x0 ss:$0x1] =	vst.idx.msk $0xffff, v1  }
0x2b: {  	v7 =	vld [tilespmem:s21+$0xFFFFFFE0];
	[tilespmem:v0+s20+$0x10 ss:$0x1] =	vst.idx.msk $0xffff, v3  }
0x2c: {  	v8 =	vld [tilespmem:s21+$0xFFFFFFF0];
	[tilespmem:v0+s20+$0x20 ss:$0x1] =	vst.idx.msk $0xffff, v5  }
.Ltmp3:
0x2d: {  	v1 =	vld [tilespmem:s21+$0x0];
	[tilespmem:v0+s20+$0xFFFFFFC0 ss:$0x1] =	vst.idx.msk $0xffff, v2;
	s20 =	sshra.s32 s22, $0x2;
	s22 =	smov.u32 s23;
	(pc) =	sbr.rel @p0 .LBB1_5-.Ltmp3, $4  }
0x2e: {  	v3 =	vld [tilespmem:s21+$0x10];
	[tilespmem:v0+s20+$0x30 ss:$0x1] =	vst.idx.msk $0xffff, v4  }
0x2f: {  	[tilespmem:v0+s20+$0xFFFFFFD0 ss:$0x1] =	vst.idx.msk $0xffff, v6;
	v5 =	vld [tilespmem:s21+$0x20]  }
0x30: {  	v2 =	vld [tilespmem:s21+$0xFFFFFFC0];
	[tilespmem:v0+s20+$0xFFFFFFE0 ss:$0x1] =	vst.idx.msk $0xffff, v7;
	s21 =	sadd.s32 $0x80, s21  }
0x31: {  	s23 =	sadd.s32 $0x800, s23;
	v4 =	vld [tilespmem:s21+$0x30];
	[tilespmem:v0+s20+$0xFFFFFFF0 ss:$0x1] =	vst.idx.msk $0xffff, v8  }
0x32: {  	_ =	sdelay $0x3  }
0x33: {  	v6 =	vld [tilespmem:s21+$0xFFFFFFD0];
	[tilespmem:v0+s20+$0x0 ss:$0x1] =	vst.idx.msk $0xffff, v1  }
0x34: {  	v58 =	vld [tilespmem:s21+$0xFFFFFFE0];
	[tilespmem:v0+s20+$0x10 ss:$0x1] =	vst.idx.msk $0xffff, v3  }
0x35: {  	v59 =	vld [tilespmem:s21+$0xFFFFFFF0];
	[tilespmem:v0+s20+$0x20 ss:$0x1] =	vst.idx.msk $0xffff, v5  }
0x36: {  	s22 =	sshra.s32 s22, $0x2;
	v60 =	vld [tilespmem:s21+$0x0];
	[tilespmem:v0+s20+$0xFFFFFFC0 ss:$0x1] =	vst.idx.msk $0xffff, v2  }
0x37: {  	v61 =	vld [tilespmem:s21+$0x10];
	[tilespmem:v0+s22+$0x30 ss:$0x1] =	vst.idx.msk $0xffff, v4  }
0x38: {  	v62 =	vld [tilespmem:s21+$0x20];
	s19 =	sadd.s32 $0x1, s19;
	[tilespmem:v0+s22+$0xFFFFFFD0 ss:$0x1] =	vst.idx.msk $0xffff, v6  }
0x39: {  	v63 =	vld [tilespmem:s21+$0xFFFFFFC0];
	p0 =	sne.s32 s19, $0x4;
	[tilespmem:v0+s22+$0xFFFFFFE0 ss:$0x1] =	vst.idx.msk $0xffff, v58  }
.Ltmp4:
0x3a: {  	[tilespmem:v0+s22+$0xFFFFFFF0 ss:$0x1] =	vst.idx.msk $0xffff, v59;
	(pc) =	sbr.rel @p0 .LBB1_4-.Ltmp4, $4  }
0x3b: {  	[tilespmem:v0+s22+$0x0 ss:$0x1] =	vst.idx.msk $0xffff, v60  }
0x3c: {  	[tilespmem:v0+s22+$0x10 ss:$0x1] =	vst.idx.msk $0xffff, v61  }
0x3d: {  	[tilespmem:v0+s22+$0x20 ss:$0x1] =	vst.idx.msk $0xffff, v62  }
0x3e: {  	s18 =	sadd.s32 $0x400, s18;
	s17 =	sadd.s32 $0x80, s17;
	[tilespmem:v0+s22+$0xFFFFFFC0 ss:$0x1] =	vst.idx.msk $0xffff, v63  }
0x3f: {  	s16 =	sadd.s32 $0x1, s16  }
0x40: {  	p0 =	sne.s32 s16, $0x4  }
.Ltmp5:
0x41: {  	_ = 	snop;
	(pc) =	sbr.rel @p0 .LBB1_3-.Ltmp5, $2  }
0x42: {  	_ =	sdelay $0x2  }
0x43: {  	s13 =	sadd.s32 $0x1000, s13;
	s14 =	sadd.s32 $0x1000, s14  }
.Ltmp6:
0x44: {  	(pc) =	sbr.rel .LBB1_9-.Ltmp6, $4  }
0x45: {  	_ = 	snop  }
0x46: {  	s12 =	sshll.u32 s12, $0x9  }
0x47: {  	s12 =	sadd.s32 s4, s12  }
0x48: {  	[hbm4b:s12+s8] =	stream.linear.scatter [tilespmem:s15], [sflag:$0x2], $0x4000, $0x38;
	[tilespmem:$0x10000] =	vst v63  }
.LBB1_10:
0x49: {  	_ =	sfence.sel $0x180000  }
0x4a: {  	s2 =	simm.s32 $0x1;
	[bflag:$0x0] =	sbarrier.arrive $0xFFFF  }
0x4b: {  	s31 =	simm.s32 $0x2;
	[sflag:s2] =	ssyncpa.u1 $0x1  }
0x4c: {  	[sflag:s31] =	ssyncpa.u1 $0x1  }
0x4d: {  	p0 =	sne.s32 s0, $0x0;
	_ =	strace $0x90000047  }
0x4e: {  	s0 =	sadd.s32 @!p0 $0x100000, s1;
	[bflag:$0x2] =	sbarrier.arrive $0xFFFF  }
0x4f: {  	[sflag:s0] =	ssyncadd.tile.s32 @!p0 $0x1;
	_ =	shalt  }
.Lfunc_end1:
_tile_overlayer_lowered:
.L_overlay_start_2:
0x50: {  	(tag) =	ssettag $0x2  }
0x51: {  	s0 =	rddreg [dreg:$0x0];
	s2 =	stileid.u32  }
0x52: {  	s1 =	rddreg [dreg:$0x1];
	p0 =	sne.s32 s2, $0x0  }
0x53: {  	s3 =	rddreg [dreg:$0x2];
	[bflag:$0x3] =	sbarrier.arrive $0xFFFF;
	s2 =	simm.s32 @!p0 $0x1C01  }
0x54: {  	[timem:s3], [sflag:s2] =	dma.local @!p0 [hbm:s0], s1  }
0x55: {  	s0 =	simm.s32 @!p0 $0x1  }
0x56: {  	_ =	swait.ge @!p0 [sflag:s0], s1  }
0x57: {  	s1 =	ssub.s32 @!p0 $0x0, s1;
	[sflag:s0] =	ssyncset.done @!p0 $0x0  }
0x58: {  	[sflag:s0] =	ssyncadd.s32 @!p0 s1  }
0x59: {  	[bflag:$0x3] =	sbarrier.arrive $0xFFFF  }
0x5a: {  	_ =	shalt  }

</sc_bundles>
